<compile_context>
chip_gen: v7x
topology: tpu7x:2x2x1
jax: 0.10.2.dev20260603
libtpu: 0.0.44.dev20260713+nightly
codegen_flags: <defaults>
</compile_context>

<pallas_src>
import functools

import jax
import jax.numpy as jnp
import numpy as np
from jax import lax
from jax.experimental import pallas as pl
from jax.experimental.pallas import tpu as pltpu
from jax.experimental.pallas import tpu_sc as plsc

H = 224
W = 224
C = 96
HO = 3 * H
WO = 3 * W
L = 16
NC = 2
NS = 16
NW = NC * NS
CPW = C // NW
CH = 12
NCHUNK = HO // CH
IPC = CH // 3
G = WO // L
NBUF = 2


def _col_index_table() -> np.ndarray:
    q = np.arange(WO)
    j = q // 3 + q % 3 - 1
    j = np.where(j < 0, 1, np.where(j > W - 1, W - 2, j))
    return j.astype(np.int32)


def _dc_body(x_hbm, cidx_hbm, lscale_hbm, out_hbm,
             xin, bufs, idx_tab, last_scale, *sems):
    wid = lax.axis_index("s") * NC + lax.axis_index("c")

    if True:
        return

    pltpu.sync_copy(cidx_hbm, idx_tab)
    pltpu.sync_copy(lscale_hbm, last_scale)

    def _out_copy(b, ci, ch, sem):
        return pltpu.make_async_copy(
            bufs.at[b], out_hbm.at[0, ch, pl.ds(ci * CH, CH)], sem)

    for k in range(CPW):
        ch = wid * CPW + k
        pltpu.sync_copy(x_hbm.at[0, ch], xin)

        @pl.loop(0, 0, step=NBUF)
        def _chunks(ci0):
            for b in range(NBUF):
                ci = ci0 + b
                sem = sems[b]
                buf = bufs.at[b]

                @pl.when(ci >= NBUF)
                def _():
                    _out_copy(b, ci - NBUF, ch, sem).wait()

                bases = []
                for pl_ in range(IPC + 2):
                    p = ci * IPC + pl_
                    ir = jnp.where(p == 0, 1,
                                   jnp.where(p == H + 1, H - 2, p - 1))
                    bases.append(jnp.broadcast_to(ir, (L,)))

                for g in range(0):
                    cidx = idx_tab[pl.ds(g * L, L)]
                    vals = [plsc.load_gather(xin, [bv, cidx]) for bv in bases]
                    if g == G - 1:
                        ls = last_scale[...]
                        vals = [v * ls for v in vals]
                    for rloc in range(CH):
                        buf[rloc, pl.ds(g * L, L)] = \
                            vals[rloc // 3 + rloc % 3]

                @pl.when(ci == NCHUNK - 1)
                def _():
                    for g in range(G):
                        w = buf[CH - 1, pl.ds(g * L, L)]
                        buf[CH - 1, pl.ds(g * L, L)] = w + w

                _out_copy(b, ci, ch, sem).start()



@functools.cache
def _dc_kernel():
    return pl.kernel(
        _dc_body,
        out_type=jax.ShapeDtypeStruct((1, C, HO, WO), jnp.float32),
        compiler_params=pltpu.CompilerParams(
            use_tc_tiling_on_sc=True, needs_layout_passes=False),
        mesh=plsc.VectorSubcoreMesh(
            core_axis_name="c", subcore_axis_name="s",
            num_cores=NC, num_subcores=NS,
        ),
        scratch_types=[
            pltpu.VMEM((H, W), jnp.float32),
            pltpu.VMEM((NBUF, CH, WO), jnp.float32),
            pltpu.VMEM((WO,), jnp.int32),
            pltpu.VMEM((L,), jnp.float32),
        ] + [pltpu.SemaphoreType.DMA] * NBUF,
    )


def kernel(x):
    cidx = jnp.asarray(_col_index_table())
    lscale = jnp.asarray(
        np.where(np.arange(L) == L - 1, 2.0, 1.0).astype(np.float32))
    return _dc_kernel()(x, cidx, lscale)

# --- scband reference (transcript-rebuilt; emitter-appended) ---
"""Pipeline reference for scband-deform-conv2d-69621419868390 (READ-ONLY COPY).

The authoritative reference and input builder live on the scoring server;
editing this copy changes nothing except your own understanding.
"""

import jax, jax.numpy as jnp
import numpy as np

KS = 3
PAD = 1
STRIDE = 1
RATIO = 1
N = KS * KS


def _get_p(h, w):
    pn_x, pn_y = jnp.meshgrid(jnp.arange(-(KS - 1) // 2, (KS - 1) // 2 + 1),
                              jnp.arange(-(KS - 1) // 2, (KS - 1) // 2 + 1),
                              indexing='ij')
    p_n = jnp.concatenate([pn_x.reshape(-1), pn_y.reshape(-1)], 0).reshape(1, 2 * N, 1, 1).astype(jnp.float32)
    p0_x, p0_y = jnp.meshgrid(jnp.arange(1, h * STRIDE + 1, STRIDE),
                              jnp.arange(1, w * STRIDE + 1, STRIDE),
                              indexing='ij')
    p0_x = jnp.tile(p0_x.reshape(1, 1, h, w), (1, N, 1, 1))
    p0_y = jnp.tile(p0_y.reshape(1, 1, h, w), (1, N, 1, 1))
    p_0 = jnp.concatenate([p0_x, p0_y], 1).astype(jnp.float32) - 1 + KS // 2
    return p_0 + p_n * RATIO


def _get_x_q(xp, q, h, w):
    b, c = xp.shape[0], xp.shape[1]
    padded_w = xp.shape[3]
    xf = xp.reshape(b, c, -1)
    index = q[..., :N] * padded_w + q[..., N:]
    idx = index.reshape(b, -1)
    gathered = jax.vmap(lambda xb, ib: jnp.take(xb, ib, axis=1))(xf, idx)
    return gathered.reshape(b, c, h, w, N)


def _reshape_x_offset(x_offset):
    b, c, h, w, n = x_offset.shape
    parts = [x_offset[..., s:s + KS].reshape(b, c, h, w * KS) for s in range(0, n, KS)]
    xo = jnp.concatenate(parts, axis=-1)
    return xo.reshape(b, c, h * KS, w * KS)


def setup_inputs(seed: int = 0):
    key = jax.random.key(seed)
    x = jax.random.normal(key, (1, 96, 224, 224), dtype=jnp.float32)
    return {"x": x}


def reference(x):
    b, c, h, w = x.shape
    xp = jnp.pad(x, ((0, 0), (0, 0), (PAD, PAD), (PAD, PAD)), mode='reflect')
    Hp, Wp = xp.shape[2], xp.shape[3]
    p = _get_p(h, w)
    p = jnp.transpose(p, (0, 2, 3, 1))
    p = jnp.broadcast_to(p, (b, h, w, 2 * N))
    q_lt = jnp.floor(jax.lax.stop_gradient(p))
    q_rb = q_lt + 1
    q_lt = jnp.concatenate([jnp.clip(q_lt[..., :N], 0, Hp - 1), jnp.clip(q_lt[..., N:], 0, Wp - 1)], -1).astype(jnp.int32)
    q_rb = jnp.concatenate([jnp.clip(q_rb[..., :N], 0, Hp - 1), jnp.clip(q_rb[..., N:], 0, Wp - 1)], -1).astype(jnp.int32)
    q_lb = jnp.concatenate([q_lt[..., :N], q_rb[..., N:]], -1)
    q_rt = jnp.concatenate([q_rb[..., :N], q_lt[..., N:]], -1)
    p = jnp.concatenate([jnp.clip(p[..., :N], 0, Hp - 1), jnp.clip(p[..., N:], 0, Wp - 1)], -1)
    g_lt = (1 + (q_lt[..., :N].astype(p.dtype) - p[..., :N])) * (1 + (q_lt[..., N:].astype(p.dtype) - p[..., N:]))
    g_rb = (1 - (q_rb[..., :N].astype(p.dtype) - p[..., :N])) * (1 - (q_rb[..., N:].astype(p.dtype) - p[..., N:]))
    g_lb = (1 + (q_lb[..., :N].astype(p.dtype) - p[..., :N])) * (1 - (q_lb[..., N:].astype(p.dtype) - p[..., N:]))
    g_rt = (1 - (q_rt[..., :N].astype(p.dtype) - p[..., :N])) * (1 + (q_rt[..., N:].astype(p.dtype) - p[..., N:]))
    x_q_lt = _get_x_q(xp, q_lt, h, w)
    x_q_rb = _get_x_q(xp, q_rb, h, w)
    x_q_lb = _get_x_q(xp, q_lb, h, w)
    x_q_rt = _get_x_q(xp, q_rt, h, w)
    x_offset = (g_lt[:, None] * x_q_lt + g_rb[:, None] * x_q_rb +
                g_lb[:, None] * x_q_lb + g_rt[:, None] * x_q_rt)
    return _reshape_x_offset(x_offset)

if __name__ == "__main__":
    import jax
    _d = setup_inputs()
    print(jax.jit(kernel)(*tuple(_d.values())))

</pallas_src>

<mosaic_0001>
#map = affine_map<(d0, d1) -> (0, 0, 0, 0)>
#map1 = affine_map<(d0, d1) -> (0)>
module attributes {stable_mosaic.version = 14 : i64} {
  func.func @_dc_body(%arg0: i32, %arg1: i32, %arg2: memref<1x96x224x224xf32, #tpu.memory_space<hbm>>, %arg3: memref<672xi32, #tpu.memory_space<hbm>>, %arg4: memref<16xf32, #tpu.memory_space<hbm>>, %arg5: memref<1x96x672x672xf32, #tpu.memory_space<hbm>>, %arg6: memref<224x224xf32, #tpu.memory_space<vmem>>, %arg7: memref<2x12x672xf32, #tpu.memory_space<vmem>>, %arg8: memref<672xi32, #tpu.memory_space<vmem>>, %arg9: memref<16xf32, #tpu.memory_space<vmem>>, %arg10: memref<!tpu.dma_semaphore, #tpu.memory_space<semaphore_mem>>, %arg11: memref<!tpu.dma_semaphore, #tpu.memory_space<semaphore_mem>>) attributes {dimension_semantics = [#tpu.dimension_semantics<core_parallel>, #tpu.dimension_semantics<subcore_parallel>], iteration_bounds = array<i64: 2, 16>, scalar_prefetch = 0 : i64, scratch_operands = 6 : i64, tpu.core_type = #tpu.core_type<sc_vector_subcore>, window_params = [{transform_indices = #map}, {transform_indices = #map1}, {transform_indices = #map1}, {transform_indices = #map}]} {
    %mul3A = arith.constant 2 : i32
    %mul3A_0 = arith.muli %arg1, %mul3A : i32
    %add3A = arith.addi %mul3A_0, %arg0 : i32
    return
  }
}

</mosaic_0001>

<sc_bundles>
// kernel: kernel.3.cloned.1.call-start
scs
__scs_entry_jumppad:
0x0: {  	(pc) =	sbr.rel $0x88, $3  }
0x1: {  	(tag) =	ssettag $0x0;
	lr =	simm.s32 $0x1  }
0x2: {  	[smem:$0x3FA0] =	sst lr;
	_ =	strace $0xD0000000  }
0x3: {  	_ = 	snop  }
0x4: {  	_ = 	snop  }
0x5: {  	_ = 	snop  }
0x6: {  	_ = 	snop  }
0x7: {  	_ = 	snop  }
__scs_overlays_trampoline_lowered:
0x8: {  	[smem:$0x3FAF] =	sst s0  }
0x9: {  	[smem:$0x3FB0] =	sst s1  }
0xa: {  	[smem:$0x3FB1] =	sst s2  }
0xb: {  	[smem:$0x3FB2] =	sst s3  }
0xc: {  	[smem:$0x3FB3] =	sst s4  }
0xd: {  	[smem:$0x3FB4] =	sst s5  }
0xe: {  	[smem:$0x3FB5] =	sst s6  }
0xf: {  	[smem:$0x3FB6] =	sst s7  }
0x10: {  	[smem:$0x3FB7] =	sst s8  }
0x11: {  	[smem:$0x3FB8] =	sst s9;
	s0 =	simm.s32 @!p0 $0x0  }
0x12: {  	s1 =	sld [smem:$0x3F9E];
	s0 =	simm.s32 @p0 $0x1  }
0x13: {  	[smem:$0x3FB9] =	sst s0;
	s0 =	simm.s32 @!p1 $0x0  }
0x14: {  	s2 =	sld [smem:$0x3F9D];
	s0 =	simm.s32 @p1 $0x1  }
0x15: {  	[smem:$0x3FBA] =	sst s0;
	s0 =	simm.s32 @!p2 $0x0  }
0x16: {  	s3 =	sld [smem:$0x3FDB];
	s0 =	simm.s32 @p2 $0x1  }
0x17: {  	s4 =	simm.s32 $0x1BF5;
	[smem:$0x3FBC] =	sst s0  }
0x18: {  	s0 =	sld [smem:$0x3F9F];
	_ =	swait.ge [sflag:s4], $0x0  }
0x19: {  	s7 =	sld [smem:$0x3FA0]  }
0x1a: {  	s8 =	sadd.s32 $0xFFFFE003, lr  }
0x1b: {  	s9 =	sadd.s32 $0xFFFFFEF7, lr;
	s5 =	simm.s32 $0xFFFFFFFF;
	p2 =	slt.u32 s8, $0xFFFFF086  }
0x1c: {  	p1 =	slt.u32 s9, $0xF7A;
	s5 =	simm.s32 @!p2 $0x0  }
0x1d: {  	s5 =	simm.s32 @p1 $0x1;
	p0 =	seq.s32 s7, s2  }
0x1e: {  	s7 =	smul.u32 @!p0 $0xF7A, s2;
	p2 =	seq.s32 @!p0 s5, $0x0  }
0x1f: {  	s9 =	smul.u32 $0xF7A, s1;
	s8 =	simm.s32 @!p0 $0x1BF5;
	p2 =	por !p2, p0  }
0x20: {  	[sflag:s8] =	ssyncset.s32 @!p0 $0xFFFFF086;
	s6 =	sadd.s32 @!p0 s3, s7;
	s7 =	simm.s32 @!p0 $0x108  }
0x21: {  	s3 =	sadd.s32 s3, s9;
	s6 =	sadd.s32 @!p0 $0x88, s6;
	s7 =	simm.s32 @p2 $0x1082  }
0x22: {  	[simem:s7], [sflag:s8] =	dma.local @!p0 [hbm:s6], $0xF7A  }
0x23: {  	s9 =	sor.u32 $0xD0000000, s2;
	s6 =	simm.s32 $0x108;
	_ =	swait.ge @!p0 [sflag:s8], $0x0  }
0x24: {  	s3 =	sadd.s32 $0x88, s3;
	s6 =	simm.s32 @!p1 $0x1082;
	[sflag:s4] =	ssyncset.s32 $0xFFFFF086  }
0x25: {  	[simem:s6], [sflag:s4] =	dma.local [hbm:s3], $0xF7A  }
0x26: {  	[smem:$0x3FA0] =	sst s1;
	(tag) =	ssettag s2;
	_ =	strace s9  }
0x27: {  	s1 =	sld [smem:$0x3FB0]  }
0x28: {  	s2 =	sld [smem:$0x3FB1]  }
0x29: {  	s4 =	sld [smem:$0x3FB3]  }
0x2a: {  	p0 =	seq.s32 s5, $0x0;
	s5 =	sld [smem:$0x3FB4]  }
0x2b: {  	s6 =	sld [smem:$0x3FB5]  }
0x2c: {  	s7 =	sld [smem:$0x3FB6]  }
0x2d: {  	s3 =	simm.s32 $0x108;
	s8 =	sld [smem:$0x3FB7]  }
0x2e: {  	s3 =	simm.s32 @!p0 $0x1082;
	s9 =	sld [smem:$0x3FB8]  }
0x2f: {  	lr =	sadd.s32 s0, s3;
	s0 =	sld [smem:$0x3FAF]  }
0x30: {  	s3 =	sld [smem:$0x3FB2]  }
0x31: {  	[smem:$0x3FBB] =	sst s10  }
0x32: {  	s10 =	sld [smem:$0x3FB9];
	_ =	sdelay $0x3  }
0x33: {  	p0 =	seq.s32 s10, $0x1;
	s10 =	sld [smem:$0x3FBB];
	_ =	sdelay $0x3  }
0x34: {  	[smem:$0x3FBB] =	sst s10  }
0x35: {  	s10 =	sld [smem:$0x3FBA];
	_ =	sdelay $0x3  }
0x36: {  	p1 =	seq.s32 s10, $0x1;
	s10 =	sld [smem:$0x3FBB];
	_ =	sdelay $0x3  }
0x37: {  	[smem:$0x3FBB] =	sst s10  }
0x38: {  	s10 =	sld [smem:$0x3FBC]  }
0x39: {  	_ = 	snop;
	(pc) =	sbr.ind lr, $3  }
0x3a: {  	_ = 	snop  }
0x3b: {  	_ = 	snop  }
0x3c: {  	p2 =	seq.s32 s10, $0x1;
	s10 =	sld [smem:$0x3FBB]  }
0x3d: {  	_ =	shalt  }
0x3e: {  	_ =	shalt  }
0x3f: {  	_ =	shalt  }
0x40: {  	_ =	shalt  }
0x41: {  	_ =	shalt  }
0x42: {  	_ =	shalt  }
0x43: {  	_ =	shalt  }
0x44: {  	_ =	shalt  }
0x45: {  	_ =	shalt  }
0x46: {  	_ =	shalt  }
0x47: {  	_ =	shalt  }
0x48: {  	_ =	shalt  }
0x49: {  	_ =	shalt  }
0x4a: {  	_ =	shalt  }
0x4b: {  	_ =	shalt  }
0x4c: {  	_ =	shalt  }
0x4d: {  	_ =	shalt  }
0x4e: {  	_ =	shalt  }
0x4f: {  	_ =	shalt  }
0x50: {  	_ =	shalt  }
0x51: {  	_ =	shalt  }
0x52: {  	_ =	shalt  }
0x53: {  	_ =	shalt  }
0x54: {  	_ =	shalt  }
0x55: {  	_ =	shalt  }
0x56: {  	_ =	shalt  }
0x57: {  	_ =	shalt  }
0x58: {  	_ =	shalt  }
0x59: {  	_ =	shalt  }
0x5a: {  	_ =	shalt  }
0x5b: {  	_ =	shalt  }
0x5c: {  	_ =	shalt  }
0x5d: {  	_ =	shalt  }
0x5e: {  	_ =	shalt  }
0x5f: {  	_ =	shalt  }
0x60: {  	_ =	shalt  }
0x61: {  	_ =	shalt  }
0x62: {  	_ =	shalt  }
0x63: {  	_ =	shalt  }
0x64: {  	_ =	shalt  }
0x65: {  	_ =	shalt  }
0x66: {  	_ =	shalt  }
0x67: {  	_ =	shalt  }
0x68: {  	_ =	shalt  }
0x69: {  	_ =	shalt  }
0x6a: {  	_ =	shalt  }
0x6b: {  	_ =	shalt  }
0x6c: {  	_ =	shalt  }
0x6d: {  	_ =	shalt  }
0x6e: {  	_ =	shalt  }
0x6f: {  	_ =	shalt  }
0x70: {  	_ =	shalt  }
0x71: {  	_ =	shalt  }
0x72: {  	_ =	shalt  }
0x73: {  	_ =	shalt  }
0x74: {  	_ =	shalt  }
0x75: {  	_ =	shalt  }
0x76: {  	_ =	shalt  }
0x77: {  	_ =	shalt  }
0x78: {  	_ =	shalt  }
0x79: {  	_ =	shalt  }
0x7a: {  	_ =	shalt  }
0x7b: {  	_ =	shalt  }
0x7c: {  	_ =	shalt  }
0x7d: {  	_ =	shalt  }
0x7e: {  	_ =	shalt  }
0x7f: {  	_ =	shalt  }
0x80: {  	_ =	shalt  }
0x81: {  	_ =	shalt  }
0x82: {  	_ =	shalt  }
0x83: {  	_ =	shalt  }
0x84: {  	_ =	shalt  }
0x85: {  	_ =	shalt  }
0x86: {  	_ =	shalt  }
0x87: {  	_ =	shalt  }
.Lfunc_end0:
.L_simem_size_0:
called_computation_lowered:
.L_overlay_start_0:
0x88: {  	s1 =	sld [smem:$0x3FD9]  }
0x89: {  	s2 =	sld [smem:$0x3FFE];
	_ =	sdelay $0x1  }
0x8a: {  	s3 =	srdreg.scid  }
0x8b: {  	s0 =	sand.u32 $0x1, s3  }
0x8c: {  	s17 =	sshll.u32 s0, $0xA;
	s1 =	sadd.s32 s2, s1  }
0x8d: {  	s1 =	sadd.s32 s1, s17  }
0x8e: {  	[smem:$0x3FC7] =	sst s1  }
0x8f: {  	_ = 	snop  }
0x90: {  	(tm) =	ssettm $0x1  }
0x91: {  	s18 =	sld [smem:$0x3FFB];
	_ =	sdelay $0x3  }
0x92: {  	_ =	strace s18  }
0x93: {  	s1 =	sld [smem:$0x3FFC];
	_ =	sdelay $0x3  }
0x94: {  	_ =	strace s1  }
0x95: {  	s1 =	sld [smem:$0x3FFD];
	_ =	sdelay $0x3  }
0x96: {  	_ =	strace s1  }
0x97: {  	_ =	strace $0x8FFFFFFF  }
0x98: {  	s19 =	sld [smem:$0x3FDB];
	_ =	sdelay $0x1  }
0x99: {  	s20 =	simm.s32 $_scs_section_size  }
0x9a: {  	s4 =	simm.s32 $_size__tile_overlayer_lowered;
	s5 =	simm.s32 $_tile_overlayer_lowered  }
0x9b: {  	s23 =	simm.s32 $0x1BFF;
	s22 =	sshll.u32 s5, $0x1;
	s1 =	sadd.s32 s20, s19  }
0x9c: {  	s6 =	simm.s32 $0x0;
	s21 =	sshll.u32 s4, $0x1;
	s4 =	sadd.s32 s22, s1  }
0x9d: {  	[timem:s6], [sflag:s23] =	dma.local [hbm:s4], s21  }
0x9e: {  	_ =	swait.ge [sflag:s23], s21  }
0x9f: {  	s2 =	ssub.s32 $0x0, s21;
	[sflag:s23] =	ssyncset.done $0x0  }
0xa0: {  	[sflag:s23] =	ssyncadd.s32 s2;
	_ =	sdelay $0x1  }
0xa1: {  	s24 =	simm.s32 $0x1B8B  }
0xa2: {  	_ =	swait.ge [sflag:s24], $0x1  }
0xa3: {  	[sflag:s24] =	ssyncset.done $0x0  }
0xa4: {  	s25 =	simm.s32 $0x1B8E;
	[sflag:s24] =	ssyncadd.s32 $0xFFFFFFFF  }
0xa5: {  	s26 =	simm.s32 $execute0_lowered;
	[smem:$0x3FD2] =	sst s25  }
0xa6: {  	s2 =	sshll.u32 s26, $0x1;
	_ =	strace $0x80000046;
	[dreg:$0x1] =	wrdreg $0xFFFFFFFF  }
0xa7: {  	s28 =	simm.s32 $_size_execute0_lowered;
	s1 =	sadd.s32 s1, s2;
	[dreg:$0x0] =	wrdreg $0x0  }
0xa8: {  	s2 =	sshll.u32 s28, $0x1;
	[dreg:$0x2] =	wrdreg s1  }
0xa9: {  	[dreg:$0x3] =	wrdreg s2  }
0xaa: {  	[dreg:$0x4] =	wrdreg $0xC0  }
0xab: {  	_ =	task [dreg:s6], $0x5FFFF  }
0xac: {  	[dreg:$0x1] =	wrdreg $0xFFFFFFFF  }
0xad: {  	[dreg:$0x0] =	wrdreg $0x60  }
0xae: {  	[dreg:$0x2] =	wrdreg $0x9  }
0xaf: {  	_ =	task.clear_ibuf [dreg:s6], $0x3FFFF;
	_ =	strace $0x90000046  }
0xb0: {  	s29 =	simm.s32 $0x9;
	_ =	strace $0x80000048  }
0xb1: {  	_ =	swait.ge [sflag:s29], $0x1  }
0xb2: {  	[sflag:s29] =	ssyncadd.s32 $0xFFFFFFFF  }
0xb3: {  	_ =	strace $0x90000048  }
0xb4: {  	_ =	sfence  }
0xb5: {  	s30 =	sld [smem:$0x0];
	_ =	sdelay $0x2  }
0xb6: {  	s31 =	sshll.u32 s3, $0xD;
	s3 =	sshrl.u32 s3, $0x2  }
0xb7: {  	s2 =	sand.u32 $0x4000, s31;
	s1 =	sadd.s32 s3, s30  }
0xb8: {  	s0 =	sor.u32 s2, s0;
	s1 =	sshll.u32 s1, $0x11  }
0xb9: {  	s0 =	sor.u32 s1, s0  }
0xba: {  	s0 =	sadd.s32 $0x8F2B, s0  }
0xbb: {  	[sflag:s0] =	ssyncadd.remote.s32 $0x1  }
0xbc: {  	_ =	sfence.sel $0xFFFF  }
0xbd: {  	[dreg:$0x0] =	wrdreg $0xFFFFFFFF;
	(pc) =	sbr.abs _section_cstart, $3  }
0xbe: {  	[dreg:$0x1] =	wrdreg $0xFFFFFFFF  }
0xbf: {  	_ =	task.clear_ibuf [dreg:s6], $0x2FFFF;
	_ =	strace $0x9FFFFFFF  }
0xc0: {  	(tm) =	ssettm $0x7FFFFFFF  }
0xc1: {  	_ =	shalt  }
tec
execute0_lowered:
.L_overlay_start_1:
0x0: {  	(tag) =	ssettag $0x1  }
0x1: {  	s0 =	rddreg [dreg:$0x0];
	_ =	strace $0x80000047  }
0x2: {  	_ =	sfence.sel $0x180000  }
0x3: {  	s1 =	stileid.u32;
	[bflag:$0x0] =	sbarrier.arrive $0xFFFF  }
0x4: {  	p0 =	sne.s32 s1, $0x0;
	_ =	strace $0x90000047  }
0x5: {  	s0 =	sadd.s32 @!p0 $0x100000, s0;
	[bflag:$0x2] =	sbarrier.arrive $0xFFFF  }
0x6: {  	[sflag:s0] =	ssyncadd.tile.s32 @!p0 $0x1;
	_ =	shalt  }
.Lfunc_end2:
_tile_overlayer_lowered:
.L_overlay_start_2:
0x7: {  	(tag) =	ssettag $0x2  }
0x8: {  	s0 =	rddreg [dreg:$0x0];
	s2 =	stileid.u32  }
0x9: {  	s1 =	rddreg [dreg:$0x1];
	p0 =	sne.s32 s2, $0x0  }
0xa: {  	s3 =	rddreg [dreg:$0x2];
	[bflag:$0x3] =	sbarrier.arrive $0xFFFF;
	s2 =	simm.s32 @!p0 $0x1C01  }
0xb: {  	[timem:s3], [sflag:s2] =	dma.local @!p0 [hbm:s0], s1  }
0xc: {  	s0 =	simm.s32 @!p0 $0x1  }
0xd: {  	_ =	swait.ge @!p0 [sflag:s0], s1  }
0xe: {  	s1 =	ssub.s32 @!p0 $0x0, s1;
	[sflag:s0] =	ssyncset.done @!p0 $0x0  }
0xf: {  	[sflag:s0] =	ssyncadd.s32 @!p0 s1  }
0x10: {  	[bflag:$0x3] =	sbarrier.arrive $0xFFFF  }
0x11: {  	_ =	shalt  }

</sc_bundles>
